<compile_context>
chip_gen: v7x
topology: tpu7x:2x2x1
jax: 0.10.2.dev20260603
libtpu: 0.0.44.dev20260713+nightly
codegen_flags: <defaults>
</compile_context>

<pallas_src>
import jax
import jax.numpy as jnp
from jax import lax
from jax.experimental import pallas as pl

B, D, V = 64, 32, 8192
TEMP = 2.0


def _step_kernel(x_ref, th_ref, gu_ref, au_ref, out_ref):
    xb = x_ref[0]
    gu = gu_ref[0]
    th = th_ref[...]

    iota_v = lax.broadcasted_iota(jnp.int32, (D, V), 1)
    iota_d = lax.broadcasted_iota(jnp.int32, (D, 1), 0)

    c = jnp.sum(th * xb, axis=1, keepdims=True)
    fd = (th - c) / TEMP
    P = jnp.exp(fd)
    w = -jnp.log(gu)

    sc = jnp.where(xb > 0.5, 0.0, P) / w
    rowmax = jnp.max(sc, axis=1, keepdims=True)
    rowarg = jnp.min(jnp.where(sc == rowmax, iota_v, V),
                     axis=1, keepdims=True)
    gmax = jnp.max(rowmax, axis=0, keepdims=True)
    dstar = jnp.min(jnp.where(rowmax == gmax, iota_d, D),
                    axis=0, keepdims=True)
    is_dstar = iota_d == dstar
    vstar = jnp.sum(jnp.where(is_dstar, rowarg, 0), axis=0, keepdims=True)
    new_mask = is_dstar & (iota_v == vstar)
    newrow = new_mask.astype(xb.dtype)

    rowP = jnp.sum(P, axis=1, keepdims=True)
    rowz = rowP - 1.0
    z1 = jnp.sum(rowz, axis=0, keepdims=True)
    lse_f = jnp.log(z1)

    th_old = jnp.sum(jnp.where(is_dstar, c, 0.0), axis=0, keepdims=True)
    th_new = jnp.sum(th * newrow, axis=1, keepdims=True)
    th_new = jnp.sum(th_new, axis=0, keepdims=True)
    delta = (th_old - th_new) / TEMP
    lp_forward = -delta - lse_f

    rowz_dstar = jnp.sum(jnp.where(is_dstar, rowz, 0.0), axis=0,
                         keepdims=True)
    z2 = z1 - rowz_dstar + ((rowz_dstar + 1.0) * jnp.exp(delta) - 1.0)
    lse_r = jnp.log(z2)
    lp_reverse = delta - lse_r

    la = (th_new - th_old) + lp_reverse - lp_forward
    accept = jnp.exp(la) > au_ref[0]

    take_new = accept & is_dstar
    out_ref[0] = jnp.where(take_new, newrow, xb)


@jax.jit
def kernel(x, theta, gumbel_u, accept_u):
    th = theta.reshape(D, V)
    gu = gumbel_u.reshape(B, D, V)
    au = accept_u.reshape(B, 1, 1)
    return pl.pallas_call(
        _step_kernel,
        grid=(B,),
        in_specs=[
            pl.BlockSpec((1, D, V), lambda b: (b, 0, 0)),
            pl.BlockSpec((D, V), lambda b: (0, 0)),
            pl.BlockSpec((1, D, V), lambda b: (b, 0, 0)),
            pl.BlockSpec((1, 1, 1), lambda b: (b, 0, 0)),
        ],
        out_specs=pl.BlockSpec((1, D, V), lambda b: (b, 0, 0)),
        out_shape=jax.ShapeDtypeStruct((B, D, V), x.dtype),
    )(x, th, gu, au)

# --- scband reference (transcript-rebuilt; emitter-appended) ---
"""Pipeline reference for scband-diff-sampler-multi-dim-11544872091918 (READ-ONLY COPY).

The authoritative reference and input builder live on the scoring server;
editing this copy changes nothing except your own understanding.
"""

import jax, jax.numpy as jnp
import numpy as np

B, D, V = 64, 32, 8192
TEMP = 2.0


def energy(z, theta):
    # stand-in for the external `model`: linear energy over flattened one-hot state
    return jnp.dot(z.reshape(z.shape[0], -1), theta)


def diff_fn(z, theta):
    # approx_difference_function_multi_dim / temp
    gx = jax.grad(lambda zz: energy(zz, theta).sum())(z)
    gx_cur = (gx * z).sum(-1)[:, :, None]
    return (gx - gx_cur) / TEMP


def _forward(x, theta, gumbel_u, accept_u):
    Bs, Ds, Vs = x.shape
    # forward proposal
    forward_delta = diff_fn(x, theta)
    forward_logits = (forward_delta - 1e9 * x).reshape(Bs, -1)
    g = -jnp.log(-jnp.log(gumbel_u))
    idx = jnp.argmax(forward_logits + g, axis=-1)
    changes = jax.nn.one_hot(idx, Ds * Vs, dtype=x.dtype)
    lp_forward = jnp.take_along_axis(jax.nn.log_softmax(forward_logits, axis=-1), idx[:, None], axis=-1)[:, 0]
    changes_r = changes.reshape(Bs, Ds, Vs)
    changed_ind = changes_r.sum(-1)
    x_delta = x * (1.0 - changed_ind[:, :, None]) + changes_r
    # reverse proposal
    reverse_delta = diff_fn(x_delta, theta)
    reverse_logits = (reverse_delta - 1e9 * x_delta).reshape(Bs, -1)
    reverse_changes = (x * changed_ind[:, :, None]).reshape(Bs, -1)
    lp_reverse = (reverse_changes * jax.nn.log_softmax(reverse_logits, axis=-1)).sum(-1)
    # MH accept/reject
    m_term = energy(x_delta, theta) - energy(x, theta)
    la = m_term + lp_reverse - lp_forward
    a = (jnp.exp(la) > accept_u).astype(x.dtype)
    x_cur = x_delta * a[:, None, None] + x * (1.0 - a[:, None, None])
    return x_cur


def setup_inputs(seed: int = 0):
    key = jax.random.key(seed)
    k1, k2, k3, k4 = jax.random.split(key, 4)
    idx0 = jax.random.randint(k1, (B, D), 0, V)
    x = jax.nn.one_hot(idx0, V, dtype=jnp.float32)
    theta = jax.random.normal(k2, (D * V,), dtype=jnp.float32) * 0.01
    gumbel_u = jax.random.uniform(k3, (B, D * V), dtype=jnp.float32, minval=1e-6, maxval=1.0 - 1e-6)
    accept_u = jax.random.uniform(k4, (B,), dtype=jnp.float32)
    return {"x": x, "theta": theta, "gumbel_u": gumbel_u, "accept_u": accept_u}


def reference(x, theta, gumbel_u, accept_u):
    return _forward(x, theta, gumbel_u, accept_u)

if __name__ == "__main__":
    import jax
    _d = setup_inputs()
    print(jax.jit(kernel)(*tuple(_d.values())))

</pallas_src>

<mosaic_0001>
module attributes {stable_mosaic.version = 14 : i64} {
  func.func @_step_kernel(%arg0: i32, %arg1: memref<1x32x8192xf32, #tpu.memory_space<vmem>>, %arg2: memref<32x8192xf32, #tpu.memory_space<vmem>>, %arg3: memref<1x32x8192xf32, #tpu.memory_space<vmem>>, %arg4: memref<1x1x1xf32, #tpu.memory_space<vmem>>, %arg5: memref<1x32x8192xf32, #tpu.memory_space<vmem>>) attributes {dimension_semantics = [#tpu.dimension_semantics<arbitrary>], iteration_bounds = array<i64: 64>, scalar_prefetch = 0 : i64, scratch_operands = 0 : i64, tpu.core_type = #tpu.core_type<tc>, window_params = [{transform_indices = @transform_0, window_bounds = array<i64: 1, 32, 8192>}, {pipeline_mode = #tpu.pipeline_mode<synchronous>, transform_indices = @transform_1, window_bounds = array<i64: 32, 8192>}, {transform_indices = @transform_2, window_bounds = array<i64: 1, 32, 8192>}, {transform_indices = @transform_3, window_bounds = array<i64: 1, 1, 1>}, {transform_indices = @transform_4, window_bounds = array<i64: 1, 32, 8192>}]} {
    %get3A = arith.constant 0 : index
    %get3A_0 = arith.constant 0 : index
    %get3A_1 = arith.constant 0 : index
    %get3A_2 = vector.load %arg1[%get3A, %get3A_0, %get3A_1] : memref<1x32x8192xf32, #tpu.memory_space<vmem>>, vector<1x32x8192xf32>
    %get3A_3 = vector.shape_cast %get3A_2 : vector<1x32x8192xf32> to vector<32x8192xf32>
    %get3A_4 = arith.constant 0 : index
    %get3A_5 = arith.constant 0 : index
    %get3A_6 = arith.constant 0 : index
    %get3A_7 = vector.load %arg3[%get3A_4, %get3A_5, %get3A_6] : memref<1x32x8192xf32, #tpu.memory_space<vmem>>, vector<1x32x8192xf32>
    %get3A_8 = vector.shape_cast %get3A_7 : vector<1x32x8192xf32> to vector<32x8192xf32>
    %get3A_9 = arith.constant 0 : index
    %get3A_10 = arith.constant 0 : index
    %get3A_11 = vector.load %arg2[%get3A_9, %get3A_10] : memref<32x8192xf32, #tpu.memory_space<vmem>>, vector<32x8192xf32>
    %iota3A = tpu.iota {dimensions = array<i32: 1>} : vector<32x8192xi32>
    %iota3A_12 = tpu.iota {dimensions = array<i32: 0>} : vector<32x1xi32>
    %mul3A = arith.mulf %get3A_11, %get3A_3 : vector<32x8192xf32>
    %reduce_sum3A = arith.constant dense<0.000000e+00> : vector<32xf32>
    %reduce_sum3A_13 = vector.multi_reduction <add>, %mul3A, %reduce_sum3A [1] : vector<32x8192xf32> to vector<32xf32>
    %broadcast_in_dim3A = vector.shape_cast %reduce_sum3A_13 : vector<32xf32> to vector<32x1xf32>
    %sub3A = vector.broadcast %broadcast_in_dim3A : vector<32x1xf32> to vector<32x8192xf32>
    %sub3A_14 = arith.subf %get3A_11, %sub3A : vector<32x8192xf32>
    %div3A = arith.constant 2.000000e+00 : f32
    %div3A_15 = vector.broadcast %div3A : f32 to vector<32x8192xf32>
    %div3A_16 = arith.divf %sub3A_14, %div3A_15 : vector<32x8192xf32>
    %exp3A = math.exp %div3A_16 : vector<32x8192xf32>
    %log3A = math.log %get3A_8 : vector<32x8192xf32>
    %neg3A = arith.constant 0.000000e+00 : f32
    %neg3A_17 = vector.broadcast %neg3A : f32 to vector<32x8192xf32>
    %neg3A_18 = arith.subf %neg3A_17, %log3A : vector<32x8192xf32>
    %gt3A = arith.constant 5.000000e-01 : f32
    %gt3A_19 = vector.broadcast %gt3A : f32 to vector<32x8192xf32>
    %gt3A_20 = arith.cmpf ogt, %get3A_3, %gt3A_19 : vector<32x8192xf32>
    %jit3A = arith.constant 0.000000e+00 : f32
    %broadcast_in_dim3A_21 = vector.broadcast %jit3A : f32 to vector<32x8192xf32>
    %select_n3A = arith.select %gt3A_20, %broadcast_in_dim3A_21, %exp3A : vector<32x8192xi1>, vector<32x8192xf32>
    %div3A_22 = arith.divf %select_n3A, %neg3A_18 : vector<32x8192xf32>
    %reduce_max3A = arith.constant dense<0xFF800000> : vector<32xf32>
    %reduce_max3A_23 = vector.multi_reduction <maximumf>, %div3A_22, %reduce_max3A [1] : vector<32x8192xf32> to vector<32xf32>
    %broadcast_in_dim3A_24 = vector.shape_cast %reduce_max3A_23 : vector<32xf32> to vector<32x1xf32>
    %eq3A = vector.broadcast %broadcast_in_dim3A_24 : vector<32x1xf32> to vector<32x8192xf32>
    %eq3A_25 = arith.cmpf oeq, %div3A_22, %eq3A : vector<32x8192xf32>
    %jit3A_26 = arith.constant 8192 : i32
    %broadcast_in_dim3A_27 = vector.broadcast %jit3A_26 : i32 to vector<32x8192xi32>
    %select_n3A_28 = arith.select %eq3A_25, %iota3A, %broadcast_in_dim3A_27 : vector<32x8192xi1>, vector<32x8192xi32>
    %reduce_min3A = arith.constant dense<2147483647> : vector<32xi32>
    %reduce_min3A_29 = vector.multi_reduction <minsi>, %select_n3A_28, %reduce_min3A [1] : vector<32x8192xi32> to vector<32xi32>
    %broadcast_in_dim3A_30 = vector.shape_cast %reduce_min3A_29 : vector<32xi32> to vector<32x1xi32>
    %reduce_max3A_31 = arith.constant dense<0xFF800000> : vector<1xf32>
    %reduce_max3A_32 = vector.multi_reduction <maximumf>, %broadcast_in_dim3A_24, %reduce_max3A_31 [0] : vector<32x1xf32> to vector<1xf32>
    %broadcast_in_dim3A_33 = vector.shape_cast %reduce_max3A_32 : vector<1xf32> to vector<1x1xf32>
    %eq3A_34 = vector.broadcast %broadcast_in_dim3A_33 : vector<1x1xf32> to vector<32x1xf32>
    %eq3A_35 = arith.cmpf oeq, %broadcast_in_dim3A_24, %eq3A_34 : vector<32x1xf32>
    %jit3A_36 = arith.constant 32 : i32
    %broadcast_in_dim3A_37 = vector.broadcast %jit3A_36 : i32 to vector<32x1xi32>
    %select_n3A_38 = arith.select %eq3A_35, %iota3A_12, %broadcast_in_dim3A_37 : vector<32x1xi1>, vector<32x1xi32>
    %reduce_min3A_39 = arith.constant dense<2147483647> : vector<1xi32>
    %reduce_min3A_40 = vector.multi_reduction <minsi>, %select_n3A_38, %reduce_min3A_39 [0] : vector<32x1xi32> to vector<1xi32>
    %broadcast_in_dim3A_41 = vector.shape_cast %reduce_min3A_40 : vector<1xi32> to vector<1x1xi32>
    %eq3A_42 = vector.broadcast %broadcast_in_dim3A_41 : vector<1x1xi32> to vector<32x1xi32>
    %eq3A_43 = arith.cmpi eq, %iota3A_12, %eq3A_42 : vector<32x1xi32>
    %jit3A_44 = arith.constant 0 : i32
    %broadcast_in_dim3A_45 = vector.broadcast %jit3A_44 : i32 to vector<32x1xi32>
    %select_n3A_46 = arith.select %eq3A_43, %broadcast_in_dim3A_30, %broadcast_in_dim3A_45 : vector<32x1xi1>, vector<32x1xi32>
    %reduce_sum3A_47 = arith.constant dense<0> : vector<1xi32>
    %reduce_sum3A_48 = vector.multi_reduction <add>, %select_n3A_46, %reduce_sum3A_47 [0] : vector<32x1xi32> to vector<1xi32>
    %broadcast_in_dim3A_49 = vector.shape_cast %reduce_sum3A_48 : vector<1xi32> to vector<1x1xi32>
    %eq3A_50 = vector.broadcast %broadcast_in_dim3A_49 : vector<1x1xi32> to vector<32x8192xi32>
    %eq3A_51 = arith.cmpi eq, %iota3A, %eq3A_50 : vector<32x8192xi32>
    %and3A = vector.broadcast %eq3A_43 : vector<32x1xi1> to vector<32x8192xi1>
    %and3A_52 = arith.andi %and3A, %eq3A_51 : vector<32x8192xi1>
    %convert_element_type3A = arith.extui %and3A_52 : vector<32x8192xi1> to vector<32x8192xi32>
    %convert_element_type3A_53 = arith.sitofp %convert_element_type3A : vector<32x8192xi32> to vector<32x8192xf32>
    %reduce_sum3A_54 = arith.constant dense<0.000000e+00> : vector<32xf32>
    %reduce_sum3A_55 = vector.multi_reduction <add>, %exp3A, %reduce_sum3A_54 [1] : vector<32x8192xf32> to vector<32xf32>
    %broadcast_in_dim3A_56 = vector.shape_cast %reduce_sum3A_55 : vector<32xf32> to vector<32x1xf32>
    %sub3A_57 = arith.constant 1.000000e+00 : f32
    %sub3A_58 = vector.broadcast %sub3A_57 : f32 to vector<32x1xf32>
    %sub3A_59 = arith.subf %broadcast_in_dim3A_56, %sub3A_58 : vector<32x1xf32>
    %reduce_sum3A_60 = arith.constant dense<0.000000e+00> : vector<1xf32>
    %reduce_sum3A_61 = vector.multi_reduction <add>, %sub3A_59, %reduce_sum3A_60 [0] : vector<32x1xf32> to vector<1xf32>
    %broadcast_in_dim3A_62 = vector.shape_cast %reduce_sum3A_61 : vector<1xf32> to vector<1x1xf32>
    %log3A_63 = math.log %broadcast_in_dim3A_62 : vector<1x1xf32>
    %jit3A_64 = arith.constant 0.000000e+00 : f32
    %broadcast_in_dim3A_65 = vector.broadcast %jit3A_64 : f32 to vector<32x1xf32>
    %select_n3A_66 = arith.select %eq3A_43, %broadcast_in_dim3A, %broadcast_in_dim3A_65 : vector<32x1xi1>, vector<32x1xf32>
    %reduce_sum3A_67 = arith.constant dense<0.000000e+00> : vector<1xf32>
    %reduce_sum3A_68 = vector.multi_reduction <add>, %select_n3A_66, %reduce_sum3A_67 [0] : vector<32x1xf32> to vector<1xf32>
    %broadcast_in_dim3A_69 = vector.shape_cast %reduce_sum3A_68 : vector<1xf32> to vector<1x1xf32>
    %mul3A_70 = arith.mulf %get3A_11, %convert_element_type3A_53 : vector<32x8192xf32>
    %reduce_sum3A_71 = arith.constant dense<0.000000e+00> : vector<32xf32>
    %reduce_sum3A_72 = vector.multi_reduction <add>, %mul3A_70, %reduce_sum3A_71 [1] : vector<32x8192xf32> to vector<32xf32>
    %broadcast_in_dim3A_73 = vector.shape_cast %reduce_sum3A_72 : vector<32xf32> to vector<32x1xf32>
    %reduce_sum3A_74 = arith.constant dense<0.000000e+00> : vector<1xf32>
    %reduce_sum3A_75 = vector.multi_reduction <add>, %broadcast_in_dim3A_73, %reduce_sum3A_74 [0] : vector<32x1xf32> to vector<1xf32>
    %broadcast_in_dim3A_76 = vector.shape_cast %reduce_sum3A_75 : vector<1xf32> to vector<1x1xf32>
    %sub3A_77 = arith.subf %broadcast_in_dim3A_69, %broadcast_in_dim3A_76 : vector<1x1xf32>
    %div3A_78 = arith.constant 2.000000e+00 : f32
    %div3A_79 = vector.broadcast %div3A_78 : f32 to vector<1x1xf32>
    %div3A_80 = arith.divf %sub3A_77, %div3A_79 : vector<1x1xf32>
    %neg3A_81 = arith.constant 0.000000e+00 : f32
    %neg3A_82 = vector.broadcast %neg3A_81 : f32 to vector<1x1xf32>
    %neg3A_83 = arith.subf %neg3A_82, %div3A_80 : vector<1x1xf32>
    %sub3A_84 = arith.subf %neg3A_83, %log3A_63 : vector<1x1xf32>
    %jit3A_85 = arith.constant 0.000000e+00 : f32
    %broadcast_in_dim3A_86 = vector.broadcast %jit3A_85 : f32 to vector<32x1xf32>
    %select_n3A_87 = arith.select %eq3A_43, %sub3A_59, %broadcast_in_dim3A_86 : vector<32x1xi1>, vector<32x1xf32>
    %reduce_sum3A_88 = arith.constant dense<0.000000e+00> : vector<1xf32>
    %reduce_sum3A_89 = vector.multi_reduction <add>, %select_n3A_87, %reduce_sum3A_88 [0] : vector<32x1xf32> to vector<1xf32>
    %broadcast_in_dim3A_90 = vector.shape_cast %reduce_sum3A_89 : vector<1xf32> to vector<1x1xf32>
    %sub3A_91 = arith.subf %broadcast_in_dim3A_62, %broadcast_in_dim3A_90 : vector<1x1xf32>
    %add3A = arith.constant 1.000000e+00 : f32
    %add3A_92 = vector.broadcast %add3A : f32 to vector<1x1xf32>
    %add3A_93 = arith.addf %broadcast_in_dim3A_90, %add3A_92 : vector<1x1xf32>
    %exp3A_94 = math.exp %div3A_80 : vector<1x1xf32>
    %mul3A_95 = arith.mulf %add3A_93, %exp3A_94 : vector<1x1xf32>
    %sub3A_96 = arith.constant 1.000000e+00 : f32
    %sub3A_97 = vector.broadcast %sub3A_96 : f32 to vector<1x1xf32>
    %sub3A_98 = arith.subf %mul3A_95, %sub3A_97 : vector<1x1xf32>
    %add3A_99 = arith.addf %sub3A_91, %sub3A_98 : vector<1x1xf32>
    %log3A_100 = math.log %add3A_99 : vector<1x1xf32>
    %sub3A_101 = arith.subf %div3A_80, %log3A_100 : vector<1x1xf32>
    %sub3A_102 = arith.subf %broadcast_in_dim3A_76, %broadcast_in_dim3A_69 : vector<1x1xf32>
    %add3A_103 = arith.addf %sub3A_102, %sub3A_101 : vector<1x1xf32>
    %sub3A_104 = arith.subf %add3A_103, %sub3A_84 : vector<1x1xf32>
    %exp3A_105 = math.exp %sub3A_104 : vector<1x1xf32>
    %get3A_106 = arith.constant 0 : index
    %get3A_107 = arith.constant 0 : index
    %get3A_108 = arith.constant 0 : index
    %get3A_109 = vector.load %arg4[%get3A_106, %get3A_107, %get3A_108] : memref<1x1x1xf32, #tpu.memory_space<vmem>>, vector<1x1x1xf32>
    %get3A_110 = vector.shape_cast %get3A_109 : vector<1x1x1xf32> to vector<1x1xf32>
    %gt3A_111 = arith.cmpf ogt, %exp3A_105, %get3A_110 : vector<1x1xf32>
    %and3A_112 = vector.broadcast %gt3A_111 : vector<1x1xi1> to vector<32x1xi1>
    %and3A_113 = arith.andi %and3A_112, %eq3A_43 : vector<32x1xi1>
    %broadcast_in_dim3A_114 = vector.shape_cast %and3A_113 : vector<32x1xi1> to vector<32x1xi1>
    %broadcast_in_dim3A_115 = vector.broadcast %broadcast_in_dim3A_114 : vector<32x1xi1> to vector<32x8192xi1>
    %select_n3A_116 = arith.select %broadcast_in_dim3A_115, %convert_element_type3A_53, %get3A_3 : vector<32x8192xi1>, vector<32x8192xf32>
    %swap3A = arith.constant 0 : index
    %swap3A_117 = arith.constant 0 : index
    %swap3A_118 = arith.constant 0 : index
    %swap3A_119 = vector.load %arg5[%swap3A, %swap3A_117, %swap3A_118] : memref<1x32x8192xf32, #tpu.memory_space<vmem>>, vector<1x32x8192xf32>
    %swap3A_120 = vector.shape_cast %swap3A_119 : vector<1x32x8192xf32> to vector<32x8192xf32>
    %swap3A_121 = vector.shape_cast %select_n3A_116 : vector<32x8192xf32> to vector<1x32x8192xf32>
    tpu.vector_store %arg5[%swap3A, %swap3A_117, %swap3A_118], %swap3A_121 {strides = array<i32>} : memref<1x32x8192xf32, #tpu.memory_space<vmem>>, vector<1x32x8192xf32>,
    return
  }
  func.func @transform_0(%arg0: i32) -> (i32, i32, i32) {
    %c0_i32 = arith.constant 0 : i32
    %c0_i32_0 = arith.constant 0 : i32
    %c0_i32_1 = arith.constant 0 : i32
    return %arg0, %c0_i32, %c0_i32_0 : i32, i32, i32
  }
  func.func @transform_1(%arg0: i32) -> (i32, i32) {
    %c0_i32 = arith.constant 0 : i32
    %c0_i32_0 = arith.constant 0 : i32
    %c0_i32_1 = arith.constant 0 : i32
    return %c0_i32, %c0_i32_0 : i32, i32
  }
  func.func @transform_2(%arg0: i32) -> (i32, i32, i32) {
    %c0_i32 = arith.constant 0 : i32
    %c0_i32_0 = arith.constant 0 : i32
    %c0_i32_1 = arith.constant 0 : i32
    return %arg0, %c0_i32, %c0_i32_0 : i32, i32, i32
  }
  func.func @transform_3(%arg0: i32) -> (i32, i32, i32) {
    %c0_i32 = arith.constant 0 : i32
    %c0_i32_0 = arith.constant 0 : i32
    %c0_i32_1 = arith.constant 0 : i32
    return %arg0, %c0_i32, %c0_i32_0 : i32, i32, i32
  }
  func.func @transform_4(%arg0: i32) -> (i32, i32, i32) {
    %c0_i32 = arith.constant 0 : i32
    %c0_i32_0 = arith.constant 0 : i32
    %c0_i32_1 = arith.constant 0 : i32
    return %arg0, %c0_i32, %c0_i32_0 : i32, i32, i32
  }
}

</mosaic_0001>

<sc_bundles>
// kernel: sparse-core-data-format-call.cloned.1.call-start
scs
called_computation_lowered:
.L_overlay_start_0:
0x0: {  	s2 =	sld [smem:$0x3FD9]  }
0x1: {  	s3 =	sld [smem:$0x3FFE];
	_ =	sdelay $0x1  }
0x2: {  	s1 =	srdreg.scid  }
0x3: {  	s0 =	sand.u32 $0x1, s1  }
0x4: {  	s18 =	sshll.u32 s0, $0xA;
	s2 =	sadd.s32 s3, s2  }
0x5: {  	s2 =	sadd.s32 s2, s18  }
0x6: {  	[smem:$0x3FC4] =	sst s2  }
0x7: {  	_ = 	snop  }
0x8: {  	s2 =	sld [smem:$0x3FC7];
	(tm) =	ssettm $0x1  }
0x9: {  	s19 =	sld [smem:$0x3FFB];
	_ =	sdelay $0x3  }
0xa: {  	_ =	strace s19  }
0xb: {  	s3 =	sld [smem:$0x3FFC];
	_ =	sdelay $0x3  }
0xc: {  	_ =	strace s3  }
0xd: {  	s3 =	sld [smem:$0x3FFD];
	_ =	sdelay $0x3  }
0xe: {  	_ =	strace s3  }
0xf: {  	_ =	strace $0x8FFFFFFF  }
0x10: {  	s20 =	sld [smem:$0x3FDB];
	_ =	sdelay $0x1  }
0x11: {  	s4 =	simm.s32 $_scs_section_size  }
0x12: {  	s5 =	simm.s32 $_size__tile_overlayer_lowered;
	s6 =	simm.s32 $_tile_overlayer_lowered  }
0x13: {  	s23 =	simm.s32 $0x1BFF;
	s22 =	sshll.u32 s6, $0x1;
	s3 =	sadd.s32 s4, s20  }
0x14: {  	s7 =	simm.s32 $0x0;
	s21 =	sshll.u32 s5, $0x1;
	s5 =	sadd.s32 s22, s3  }
0x15: {  	[timem:s7], [sflag:s23] =	dma.local [hbm:s5], s21  }
0x16: {  	_ =	swait.ge [sflag:s23], s21  }
0x17: {  	s4 =	ssub.s32 $0x0, s21;
	[sflag:s23] =	ssyncset.done $0x0  }
0x18: {  	[sflag:s23] =	ssyncadd.s32 s4;
	_ =	sdelay $0x1  }
0x19: {  	s24 =	simm.s32 $0x1B8B  }
0x1a: {  	_ =	swait.ge [sflag:s24], $0x1  }
0x1b: {  	[sflag:s24] =	ssyncset.done $0x0  }
0x1c: {  	s26 =	simm.s32 $0x1B8E;
	s25 =	sld [smem:$0x3FFE];
	[sflag:s24] =	ssyncadd.s32 $0xFFFFFFFF  }
0x1d: {  	s27 =	simm.s32 $execute0_lowered;
	[smem:$0x3FD2] =	sst s26  }
0x1e: {  	s5 =	sshll.u32 s27, $0x1;
	_ =	strace $0x80000046;
	[dreg:$0x1] =	wrdreg $0xFFFFFFFF  }
0x1f: {  	s28 =	simm.s32 $_size_execute0_lowered;
	s3 =	sadd.s32 s3, s5;
	[dreg:$0x0] =	wrdreg $0x0  }
0x20: {  	s5 =	sshll.u32 s28, $0x1;
	[dreg:$0x2] =	wrdreg s3  }
0x21: {  	[dreg:$0x3] =	wrdreg s5  }
0x22: {  	[dreg:$0x4] =	wrdreg $0xC0  }
0x23: {  	_ =	task [dreg:s7], $0x5FFFF  }
0x24: {  	[dreg:$0x1] =	wrdreg $0xFFFFFFFF  }
0x25: {  	[dreg:$0x0] =	wrdreg $0x60  }
0x26: {  	[dreg:$0x2] =	wrdreg s2  }
0x27: {  	[dreg:$0x3] =	wrdreg s25  }
0x28: {  	[dreg:$0x4] =	wrdreg $0x9  }
0x29: {  	_ =	task.clear_ibuf [dreg:s7], $0x5FFFF;
	_ =	strace $0x90000046  }
0x2a: {  	s29 =	simm.s32 $0x9;
	_ =	strace $0x80000048  }
0x2b: {  	_ =	swait.ge [sflag:s29], $0x1  }
0x2c: {  	[sflag:s29] =	ssyncadd.s32 $0xFFFFFFFF  }
0x2d: {  	_ =	strace $0x90000048  }
0x2e: {  	_ =	sfence  }
0x2f: {  	s30 =	sld [smem:$0x0];
	_ =	sdelay $0x2  }
0x30: {  	s31 =	sshll.u32 s1, $0xD;
	s1 =	sshrl.u32 s1, $0x2  }
0x31: {  	s3 =	sand.u32 $0x4000, s31;
	s1 =	sadd.s32 s1, s30  }
0x32: {  	s0 =	sor.u32 s3, s0;
	s1 =	sshll.u32 s1, $0x11  }
0x33: {  	s0 =	sor.u32 s1, s0  }
0x34: {  	s0 =	sadd.s32 $0x8F2B, s0  }
0x35: {  	[sflag:s0] =	ssyncadd.remote.s32 $0x1  }
0x36: {  	_ =	sfence.sel $0xFFFF  }
0x37: {  	[dreg:$0x0] =	wrdreg $0xFFFFFFFF;
	(pc) =	sbr.abs _section_cstart, $3  }
0x38: {  	[dreg:$0x1] =	wrdreg $0xFFFFFFFF  }
0x39: {  	_ =	task.clear_ibuf [dreg:s7], $0x2FFFF;
	_ =	strace $0x9FFFFFFF  }
0x3a: {  	(tm) =	ssettm $0x7FFFFFFF  }
0x3b: {  	_ =	shalt  }
tec
execute0_lowered:
.L_overlay_start_1:
0x0: {  	(tag) =	ssettag $0x1  }
0x1: {  	s1 =	srdreg.scid;
	s2 =	rddreg [dreg:$0x0]  }
0x2: {  	s0 =	stileid.u32;
	s4 =	rddreg [dreg:$0x1];
	_ =	strace $0x80000047  }
0x3: {  	s7 =	simm.s32 $0x0;
	s6 =	simm.s32 $0x1;
	s1 =	sshll.u32 s1, $0x4  }
0x4: {  	s8 =	simm.s32 $0x2;
	s15 =	simm.s32 $0x0;
	s1 =	sor.u32 s0, s1  }
0x5: {  	s9 =	simm.s32 $0x40000;
	s16 =	simm.s32 $0x0;
	s3 =	sand.u32 $0x18, s1  }
0x6: {  	s18 =	simm.s32 $0x0;
	s17 =	simm.s32 $0x0;
	s1 =	ssub.s32 $0x20, s3  }
0x7: {  	s10 =	simm.s32 $0x0;
	s11 =	simm.s32 $0x0;
	s5 =	sand.u32 $0x18, s1  }
.Ltmp0:
0x8: {  	s14 =	simm.s32 $0x0;
	p0 =	seq.s32 s5, $0x0;
	(pc) =	sbr.rel .LBB1_1-.Ltmp0, $4  }
0x9: {  	s24 =	simm.s32 $0x0;
	[sflag:s6] =	ssyncpa.u1 $0x0;
	s7 =	simm.s32 @!p0 $0x20  }
0xa: {  	s4 =	sadd.s32 $0x800, s4;
	[sflag:s8] =	ssyncpa.u1 $0x0;
	s1 =	sadd.s32 s1, s7  }
0xb: {  	s12 =	smov.u32 s3;
	s5 =	sand.u32 $0x7, s0;
	s7 =	sand.u32 $0x60, s1  }
0xc: {  	p0 =	por $0x0, $0x0;
	s13 =	smov.u32 s5;
	s8 =	sor.u32 $0x1, s7  }
.LBB1_7:
0xd: {  	s1 =	sadd.s32 $0x100, s10  }
0xe: {  	s15 =	sadd.s32 $0x8, s11;
	s19 =	smov.u32 s11;
	p2 =	sgt.s32 s1, $0x1FFF  }
0xf: {  	s19 =	smov.u32 @p2 s15  }
0x10: {  	s20 =	smov.u32 s12;
	s15 =	sadd.s32 $0x20, s12;
	p3 =	sgt.s32 s19, $0x7  }
0x11: {  	s20 =	smov.u32 @p3 s15  }
0x12: {  	s21 =	smov.u32 s13;
	s15 =	sadd.s32 $0x8, s13;
	p4 =	sgt.s32 s20, $0x1F  }
0x13: {  	p1 =	slt.u32 s14, $0x2;
	s21 =	smov.u32 @p4 s15  }
0x14: {  	s16 =	smov.u32 s11;
	s1 =	simm.s32 @p2 $0x0;
	p2 =	sgt.s32 s21, $0x7  }
0x15: {  	s22 =	simm.s32 @!p1 $0x2;
	s21 =	smov.u32 @p2 s5;
	p2 =	sne.s32 s14, s8  }
.Ltmp1:
0x16: {  	s18 =	smov.u32 s12;
	_ =	swait.ge @!p1 [sflag:s22], $0x4000;
	(pc) =	sbr.rel @!p2 .LBB1_8-.Ltmp1, $4  }
0x17: {  	s17 =	smov.u32 s13;
	[sflag:s22] =	ssyncset.done @!p1 $0x0;
	s19 =	simm.s32 @p3 $0x0  }
0x18: {  	p0 =	por !p0, !p0;
	[sflag:s22] =	ssyncadd.s32 @!p1 $0xFFFFC000;
	s11 =	smov.u32 s19  }
0x19: {  	s20 =	smov.u32 @p4 s3;
	s15 =	smov.u32 s10;
	s10 =	smov.u32 s1  }
0x1a: {  	s12 =	smov.u32 s20;
	s14 =	sadd.s32 $0x1, s14;
	s13 =	smov.u32 s21  }
.LBB1_1:
0x1b: {  	p1 =	sge.u32 s14, s7  }
0x1c: {  	s31 =	sadd.s32 $0xFFFFFFFF, s14;
	s1 =	sxor.u32 @!p1 $0xFFFFFFFF, s14  }
0x1d: {  	s19 =	sshll.u32 @!p1 s11, $0x7;
	s20 =	sand.u32 @!p1 $0x78, s10;
	s21 =	sshll.u32 @!p1 s10, $0x3  }
0x1e: {  	s22 =	sand.u32 @!p1 $0x1C00, s10;
	s1 =	sshll.u32 @!p1 s1, $0xE;
	s19 =	sand.u32 @!p1 $0x380, s19  }
0x1f: {  	s21 =	sand.u32 @!p1 $0x1C00, s21;
	s19 =	sor.u32 @!p1 s19, s20;
	s20 =	sshll.u32 @!p1 s13, $0x12  }
0x20: {  	s19 =	sor.u32 @!p1 s21, s19;
	s21 =	sshll.u32 @!p1 s12, $0xD;
	s20 =	sadd.s32 @!p1 s2, s20  }
0x21: {  	s1 =	sand.u32 @!p1 $0x4000, s1;
	s20 =	sadd.s32 @!p1 s21, s20;
	s21 =	sand.u32 @!p1 $0x7, s10  }
0x22: {  	s19 =	sshrl.u32 @!p1 s19, $0x3;
	s20 =	sadd.s32 @!p1 s22, s20;
	s21 =	sshll.u32 @!p1 s21, $0x12  }
0x23: {  	s19 =	sadd.s32 @!p1 s19, s20;
	s20 =	sor.u32 @!p1 $0x800, s21;
	s21 =	simm.s32 @!p1 $0x10000  }
0x24: {  	[tilespmem:s1], [sflag:$0x1] =	stream.strided.gather @!p1 [hbm4b:s19+s20], $0x4000, s21, s20, $0x38;
	[tilespmem:$0x10000] =	vst v63  }
0x25: {  	p1 =	sge.u32 s31, s7  }
.Ltmp2:
0x26: {  	_ = 	snop;
	(pc) =	sbr.rel @p1 .LBB1_7-.Ltmp2, $1  }
0x27: {  	_ =	sdelay $0x3  }
0x28: {  	s1 =	simm.s32 $0x1  }
0x29: {  	_ =	swait.ge [sflag:s6], $0x4000;
	s19 =	sshll.u32 s14, $0xE;
	p1 =	por $0x0, $0x0  }
0x2a: {  	s25 =	simm.s32 $0x0;
	s26 =	simm.s32 $0x0;
	s1 =	simm.s32 @!p0 $0x0  }
0x2b: {  	[sflag:s6] =	ssyncset.done $0x0;
	s22 =	sand.u32 $0x4000, s19;
	s1 =	sshll.u32 s1, $0x10  }
0x2c: {  	[sflag:s6] =	ssyncadd.s32 $0xFFFFC000;
	s19 =	sor.u32 $0x8000, s22;
	s1 =	sshrl.u32 s1, $0x2  }
0x2d: {  	s20 =	sor.u32 $0x40, s1;
	s21 =	sor.u32 $0x8410, s1;
	s23 =	sadd.s32 $0x8400, s1  }
.LBB1_3:
0x2e: {  	v1 =	vld [tilespmem:s20+$0xFFFFFFD0]  }
0x2f: {  	v2 =	vld [tilespmem:s20+$0x430]  }
0x30: {  	s1 =	sshll.u32 s26, $0xB;
	v4 =	vld [tilespmem:s20+$0xFFFFFFE0]  }
0x31: {  	v7 =	vld [tilespmem:s20+$0xFFFFFFF0];
	v0 =	vmov s1  }
0x32: {  	v8 =	vld [tilespmem:s20+$0x0]  }
0x33: {  	v9 =	vld [tilespmem:s20+$0x10];
	s1 =	sand.u32 $0x300, s24  }
0x34: {  	s27 =	sand.u32 $0x80, s24;
	v10 =	vld [tilespmem:s20+$0x20];
	s1 =	sadd.s32 s1, s22  }
0x35: {  	v11 =	vld [tilespmem:s20+$0x30];
	s1 =	sadd.s32 s27, s1;
	s27 =	simm.s32 $0x1;
	[tilespmem:s21+$0x60] =	vst v2  }
0x36: {  	s27 =	simm.s32 @!p1 $0x0;
	[tilespmem:s21+$0xFFFFFC00] =	vst v1;
	v3 =	vld.idx.msk [tilespmem:v0+s1+$0x400 ss:$0x1], $0xffff;
	s1 =	sshll.u32 s25, $0x2  }
0x37: {  	v6 =	vld [tilespmem:s20+$0x3D0];
	s27 =	sshll.u32 s27, $0x9;
	[tilespmem:s21+$0xFFFFFC10] =	vst v4;
	s1 =	sand.u32 $0xFFFFFC00, s1  }
0x38: {  	v5 =	vld [tilespmem:s20+$0x3E0];
	[tilespmem:s21+$0xFFFFFC20] =	vst v7;
	s1 =	sor.u32 s27, s1  }
0x39: {  	[tilespmem:s21+$0xFFFFFC30] =	vst v8;
	v4 =	vld [tilespmem:s20+$0x400];
	s1 =	sshrl.u32 s1, $0x2  }
0x3a: {  	[tilespmem:s21+$0xFFFFFC40] =	vst v9;
	v1 =	vld [tilespmem:s20+$0x410];
	s27 =	sadd.s32 s1, s23  }
0x3b: {  	[tilespmem:s27+$0x0] =	vst v3;
	v3 =	vld [tilespmem:s20+$0x3F0]  }
0x3c: {  	s31 =	simm.s32 $0x80;
	s30 =	simm.s32 $0x100;
	[tilespmem:s21+$0xFFFFFC50] =	vst v10;
	v2 =	vld [tilespmem:s20+$0x420]  }
0x3d: {  	s28 =	sadd.s32 $0x80, s20;
	s29 =	smov.u32 s21;
	v7 =	vld [tilespmem:s20+$0xFFFFFFC0];
	[tilespmem:s21+$0xFFFFFC60] =	vst v11;
	s1 =	sand.u32 $0x300, s31  }
.LBB1_4:
0x3e: {  	p2 =	sne.s32 s30, $0x380;
	v8 =	vld [tilespmem:s28+$0xFFFFFFD0];
	s31 =	sand.u32 $0x80, s31;
	s1 =	sadd.s32 s1, s22;
	[tilespmem:s29+$0x0] =	vst v6  }
0x3f: {  	s1 =	sadd.s32 s31, s1;
	v6 =	vld [tilespmem:s28+$0x430];
	[tilespmem:s29+$0x10] =	vst v5;
	s31 =	smov.u32 s30  }
0x40: {  	v5 =	vld.idx.msk [tilespmem:v0+s1+$0x400 ss:$0x1], $0xffff;
	[tilespmem:s29+$0x20] =	vst v3  }
0x41: {  	v3 =	vld [tilespmem:s28+$0xFFFFFFE0];
	[tilespmem:s29+$0x30] =	vst v4  }
0x42: {  	v4 =	vld [tilespmem:s28+$0xFFFFFFF0];
	[tilespmem:s29+$0xFFFFFBF0] =	vst v7  }
0x43: {  	v7 =	vld [tilespmem:s28+$0x0];
	[tilespmem:s29+$0x40] =	vst v1  }
0x44: {  	v1 =	vld [tilespmem:s28+$0x10];
	[tilespmem:s29+$0x50] =	vst v2;
	s29 =	sadd.s32 $0x800, s29  }
0x45: {  	s27 =	sadd.s32 $0x800, s27;
	v2 =	vld [tilespmem:s28+$0x20];
	[tilespmem:s29+$0x60] =	vst v6  }
0x46: {  	v9 =	vld [tilespmem:s28+$0x30];
	[tilespmem:s27+$0x0] =	vst v5  }
0x47: {  	[tilespmem:s29+$0xFFFFFC00] =	vst v8;
	v6 =	vld [tilespmem:s28+$0x3D0]  }
0x48: {  	[tilespmem:s29+$0xFFFFFC10] =	vst v3;
	v5 =	vld [tilespmem:s28+$0x3E0]  }
.Ltmp3:
0x49: {  	[tilespmem:s29+$0xFFFFFC20] =	vst v4;
	v3 =	vld [tilespmem:s28+$0x3F0];
	(pc) =	sbr.rel @p2 .LBB1_4-.Ltmp3, $4  }
0x4a: {  	[tilespmem:s29+$0xFFFFFC30] =	vst v7;
	v4 =	vld [tilespmem:s28+$0x400]  }
0x4b: {  	[tilespmem:s29+$0xFFFFFC40] =	vst v1;
	v1 =	vld [tilespmem:s28+$0x410]  }
0x4c: {  	[tilespmem:s29+$0xFFFFFC50] =	vst v2;
	v2 =	vld [tilespmem:s28+$0x420]  }
0x4d: {  	s30 =	sadd.s32 $0x80, s30;
	s1 =	sand.u32 $0x300, s31;
	v7 =	vld [tilespmem:s28+$0xFFFFFFC0];
	[tilespmem:s29+$0xFFFFFC60] =	vst v9;
	s28 =	sadd.s32 $0x80, s28  }
0x4e: {  	[tilespmem:s29+$0x0] =	vst v6  }
0x4f: {  	[tilespmem:s29+$0x10] =	vst v5  }
0x50: {  	v49 =	vld [tilespmem:s28+$0x430];
	[tilespmem:s29+$0x20] =	vst v3  }
0x51: {  	v50 =	vld [tilespmem:s28+$0xFFFFFFD0];
	[tilespmem:s29+$0x30] =	vst v4  }
0x52: {  	v51 =	vld [tilespmem:s28+$0xFFFFFFE0];
	[tilespmem:s29+$0x40] =	vst v1  }
0x53: {  	v52 =	vld [tilespmem:s28+$0xFFFFFFF0];
	[tilespmem:s29+$0x50] =	vst v2  }
0x54: {  	s30 =	sand.u32 $0x80, s31;
	s31 =	sadd.s32 $0x800, s29;
	v53 =	vld [tilespmem:s28+$0x0];
	[tilespmem:s29+$0xFFFFFBF0] =	vst v7  }
0x55: {  	v54 =	vld [tilespmem:s28+$0x10];
	[tilespmem:s31+$0x60] =	vst v49  }
0x56: {  	v55 =	vld [tilespmem:s28+$0x20];
	[tilespmem:s31+$0xFFFFFC00] =	vst v50  }
0x57: {  	v56 =	vld [tilespmem:s28+$0x30];
	[tilespmem:s31+$0xFFFFFC10] =	vst v51  }
0x58: {  	v57 =	vld [tilespmem:s28+$0x3D0];
	[tilespmem:s31+$0xFFFFFC20] =	vst v52  }
0x59: {  	v58 =	vld [tilespmem:s28+$0x3E0];
	[tilespmem:s31+$0xFFFFFC30] =	vst v53  }
0x5a: {  	v59 =	vld [tilespmem:s28+$0x3F0];
	[tilespmem:s31+$0xFFFFFC40] =	vst v54  }
0x5b: {  	v60 =	vld [tilespmem:s28+$0x400];
	[tilespmem:s31+$0xFFFFFC50] =	vst v55  }
0x5c: {  	v61 =	vld [tilespmem:s28+$0xFFFFFFC0];
	[tilespmem:s31+$0xFFFFFC60] =	vst v56  }
0x5d: {  	s1 =	sadd.s32 s1, s22;
	v62 =	vld [tilespmem:s28+$0x410];
	[tilespmem:s31+$0x0] =	vst v57  }
0x5e: {  	v63 =	vld [tilespmem:s28+$0x420];
	s26 =	sadd.s32 $0x1, s26;
	s1 =	sadd.s32 s30, s1;
	[tilespmem:s31+$0x10] =	vst v58  }
0x5f: {  	p2 =	sne.s32 s26, $0x8;
	v0 =	vld.idx.msk [tilespmem:v0+s1+$0x400 ss:$0x1], $0xffff;
	[tilespmem:s31+$0x20] =	vst v59  }
.Ltmp4:
0x60: {  	[tilespmem:s31+$0x30] =	vst v60;
	(pc) =	sbr.rel @p2 .LBB1_3-.Ltmp4, $4  }
0x61: {  	[tilespmem:s31+$0xFFFFFBF0] =	vst v61  }
0x62: {  	[tilespmem:s31+$0x40] =	vst v62  }
0x63: {  	s27 =	sadd.s32 $0x800, s27;
	s20 =	sadd.s32 $0x800, s20;
	[tilespmem:s31+$0x50] =	vst v63  }
0x64: {  	s25 =	sadd.s32 $0x80, s25;
	p1 =	por !p1, !p1;
	s21 =	sadd.s32 $0x80, s21;
	[tilespmem:s27+$0x0] =	vst v0  }
0x65: {  	s1 =	sand.u32 $0x78, s15;
	s20 =	sshll.u32 s18, $0x7;
	s29 =	sshll.u32 s18, $0xD  }
0x66: {  	s21 =	sshll.u32 s15, $0x3;
	s17 =	sshll.u32 s17, $0x12;
	s16 =	sshll.u32 s16, $0xF  }
0x67: {  	s31 =	sand.u32 $0x7, s15;
	s20 =	sand.u32 $0x380, s20;
	s18 =	sand.u32 $0x30000, s29  }
0x68: {  	s30 =	sand.u32 $0x1C00, s21;
	s17 =	sadd.s32 s4, s17;
	s18 =	sadd.s32 s18, s21  }
.Ltmp5:
0x69: {  	s1 =	sor.u32 s20, s1;
	s18 =	sshrl.u32 s18, $0x3;
	(pc) =	sbr.rel .LBB1_7-.Ltmp5, $4  }
0x6a: {  	s16 =	sadd.s32 s16, s17;
	s1 =	sor.u32 s30, s1;
	s18 =	sand.u32 $0x7C00, s18  }
0x6b: {  	s15 =	sshll.u32 s31, $0x12;
	s1 =	sshrl.u32 s1, $0x3;
	s16 =	sadd.s32 s18, s16  }
0x6c: {  	s15 =	sor.u32 $0x800, s15;
	s1 =	sadd.s32 s1, s16  }
0x6d: {  	[hbm4b:s1+s15] =	stream.strided.scatter [tilespmem:s19], [sflag:$0x2], $0x4000, s9, s15, $0x38;
	[tilespmem:$0x10000] =	vst v63  }
.LBB1_8:
0x6e: {  	_ =	sfence.sel $0x180000  }
0x6f: {  	s1 =	simm.s32 $0x1;
	[bflag:$0x0] =	sbarrier.arrive $0xFFFF  }
0x70: {  	s31 =	simm.s32 $0x2;
	[sflag:s1] =	ssyncpa.u1 $0x1  }
0x71: {  	[sflag:s31] =	ssyncpa.u1 $0x1  }
0x72: {  	_ =	strace $0x90000047  }
0x73: {  	[bflag:$0x2] =	sbarrier.arrive $0xFFFF  }
0x74: {  	p0 =	sne.s32 s0, $0x0;
	s0 =	rddreg [dreg:$0x2]  }
0x75: {  	s0 =	sadd.s32 @!p0 $0x100000, s0  }
0x76: {  	[sflag:s0] =	ssyncadd.tile.s32 @!p0 $0x1;
	_ =	shalt  }
.Lfunc_end1:
_tile_overlayer_lowered:
.L_overlay_start_2:
0x77: {  	(tag) =	ssettag $0x2  }
0x78: {  	s0 =	rddreg [dreg:$0x0];
	s2 =	stileid.u32  }
0x79: {  	s1 =	rddreg [dreg:$0x1];
	p0 =	sne.s32 s2, $0x0  }
0x7a: {  	s3 =	rddreg [dreg:$0x2];
	[bflag:$0x3] =	sbarrier.arrive $0xFFFF;
	s2 =	simm.s32 @!p0 $0x1C01  }
0x7b: {  	[timem:s3], [sflag:s2] =	dma.local @!p0 [hbm:s0], s1  }
0x7c: {  	s0 =	simm.s32 @!p0 $0x1  }
0x7d: {  	_ =	swait.ge @!p0 [sflag:s0], s1  }
0x7e: {  	s1 =	ssub.s32 @!p0 $0x0, s1;
	[sflag:s0] =	ssyncset.done @!p0 $0x0  }
0x7f: {  	[sflag:s0] =	ssyncadd.s32 @!p0 s1  }
0x80: {  	[bflag:$0x3] =	sbarrier.arrive $0xFFFF  }
0x81: {  	_ =	shalt  }

</sc_bundles>
